<compile_context>
chip_gen: v7x
topology: tpu7x:2x2x1
jax: 0.10.2.dev20260603
libtpu: 0.0.44.dev20260713+nightly
codegen_flags: <defaults>
</compile_context>

<pallas_src>
import functools

import jax
import jax.numpy as jnp
from jax import lax
from jax.experimental import pallas as pl
from jax.experimental.pallas import tpu as pltpu
from jax.experimental.pallas import tpu_sc as plsc

SINK = 4
OMEGA = 32
K_WINDOWS = 3
START_IDX = 2
K_SEL = K_WINDOWS + START_IDX

_NUM_CORES = 2
_NUM_SUBCORES = 16
_NUM_WORKERS = _NUM_CORES * _NUM_SUBCORES


def _score_select_kernel(att0_ref, att1_ref, att2_ref, att3_ref,
                         win_ref, idx_ref, obs_scr, *, H, S):
    i = pl.program_id(0)
    hb = att0_ref.shape[1]
    part = ((jnp.sum(att0_ref[0], axis=1) + jnp.sum(att1_ref[0], axis=1))
            + (jnp.sum(att2_ref[0], axis=1) + jnp.sum(att3_ref[0], axis=1)))
    for j in range(hb):
        obs_scr[pl.ds(i * hb + j, 1), :] = part[j:j + 1, :]

    @pl.when(i == pl.num_programs(0) - 1)
    def _select():
        _do_select(obs_scr, win_ref, idx_ref, H=H, S=S)


def _do_select(obs_scr, win_ref, idx_ref, *, H, S):
    num_windows = (S - SINK) // OMEGA
    score_end = SINK + num_windows * OMEGA
    kept = SINK + K_SEL * OMEGA + (S - score_end)
    nwin_pad = ((num_windows + 7) // 8) * 8

    obs = obs_scr[:, :]

    t = lax.broadcasted_iota(jnp.int32, (S, nwin_pad), 0)
    w = lax.broadcasted_iota(jnp.int32, (S, nwin_pad), 1)
    member = (t >= SINK) & (t < score_end) & (((t - SINK) // OMEGA) == w)
    win = jnp.dot(obs, member.astype(jnp.float32),
                  preferred_element_type=jnp.float32,
                  precision=lax.Precision.HIGHEST)
    win_ref[:, :] = win[:, :num_windows]

    widx = lax.broadcasted_iota(jnp.int32, (H, nwin_pad), 1)
    work = jnp.where(widx < num_windows, win, -jnp.inf)
    sel = []
    for _ in range(K_SEL):
        m = jnp.max(work, axis=1, keepdims=True)
        idx_j = jnp.min(jnp.where(work == m, widx, jnp.int32(2**30)),
                        axis=1, keepdims=True)
        sel.append(idx_j)
        work = jnp.where(widx == idx_j, -jnp.inf, work)

    for n in range(K_SEL - 1, 0, -1):
        for i in range(n):
            lo = jnp.minimum(sel[i], sel[i + 1])
            hi = jnp.maximum(sel[i], sel[i + 1])
            sel[i], sel[i + 1] = lo, hi

    p = lax.broadcasted_iota(jnp.int32, (H, kept), 1)
    jv = (p - SINK) // OMEGA
    off = (p - SINK) % OMEGA
    selw = jnp.zeros((H, kept), jnp.int32)
    for j in range(K_SEL):
        selw = jnp.where(jv == j, sel[j], selw)
    mid = selw * OMEGA + SINK + off
    keep = jnp.where(p < SINK, p,
                     jnp.where(p < SINK + K_SEL * OMEGA, mid, p + (S - kept)))
    hrow = lax.broadcasted_iota(jnp.int32, (H, kept), 0)
    idx_ref[:, :] = keep + hrow * S


def _gather_body(k_hbm, v_hbm, idx_hbm, outk_hbm, outv_hbm,
                 idx_v, krows, vrows, semk, semv, *, rows_per_w):
    wid = lax.axis_index("s") * _NUM_CORES + lax.axis_index("c")
    base = wid * rows_per_w
    pltpu.sync_copy(idx_hbm.at[pl.ds(base, rows_per_w)], idx_v)
    ck = pltpu.async_copy(k_hbm.at[idx_v], krows, semk)
    cv = pltpu.async_copy(v_hbm.at[idx_v], vrows, semv)
    ck.wait()
    cv.wait()
    pltpu.sync_copy(krows, outk_hbm.at[pl.ds(base, rows_per_w)])
    pltpu.sync_copy(vrows, outv_hbm.at[pl.ds(base, rows_per_w)])


def _make_gather(total_rows, rows_per_w, D):
    mesh = plsc.VectorSubcoreMesh(core_axis_name="c", subcore_axis_name="s")
    return functools.partial(
        pl.kernel,
        mesh=mesh,
        out_type=[jax.ShapeDtypeStruct((total_rows, D), jnp.float32),
                  jax.ShapeDtypeStruct((total_rows, D), jnp.float32)],
        scratch_types=[pltpu.VMEM((rows_per_w,), jnp.int32),
                       pltpu.VMEM((rows_per_w, D), jnp.float32),
                       pltpu.VMEM((rows_per_w, D), jnp.float32),
                       pltpu.SemaphoreType.DMA,
                       pltpu.SemaphoreType.DMA],
    )(functools.partial(_gather_body, rows_per_w=rows_per_w))


def kernel(past_key, past_value, attn_score_cache):
    B, H, S, D = past_key.shape
    Q = attn_score_cache.shape[2]
    num_windows = (S - SINK) // OMEGA
    score_end = SINK + num_windows * OMEGA
    kept = SINK + K_SEL * OMEGA + (S - score_end)

    HB = 4
    win_scores, idx = pl.pallas_call(
        functools.partial(_score_select_kernel, H=H, S=S),
        grid=(H // HB,),
        in_specs=[pl.BlockSpec((1, HB, Q // 4, S), lambda i: (0, i, 0, 0)),
                  pl.BlockSpec((1, HB, Q // 4, S), lambda i: (0, i, 1, 0)),
                  pl.BlockSpec((1, HB, Q // 4, S), lambda i: (0, i, 2, 0)),
                  pl.BlockSpec((1, HB, Q // 4, S), lambda i: (0, i, 3, 0))],
        out_specs=[pl.BlockSpec((H, num_windows), lambda i: (0, 0)),
                   pl.BlockSpec((H, kept), lambda i: (0, 0))],
        out_shape=[jax.ShapeDtypeStruct((H, num_windows), jnp.float32),
                   jax.ShapeDtypeStruct((H, kept), jnp.int32)],
        scratch_shapes=[pltpu.VMEM((H, S), jnp.float32)],
    )(attn_score_cache, attn_score_cache, attn_score_cache, attn_score_cache)

    total_rows = H * kept
    rows_per_w = total_rows // _NUM_WORKERS
    k_tab = past_key.reshape(B * H * S, D)
    v_tab = past_value.reshape(B * H * S, D)
    idx_flat = idx.reshape(total_rows)

    gk, gv = _make_gather(total_rows, rows_per_w, D)(k_tab, v_tab, idx_flat)
    new_k = gk.reshape(B, H, kept, D)
    new_v = gv.reshape(B, H, kept, D)
    return (new_k, new_v, win_scores)

# --- scband reference (transcript-rebuilt; emitter-appended) ---
"""Pipeline reference for scband-stickykvcache-layer-wise-87136296501321 (READ-ONLY COPY).

The authoritative reference and input builder live on the scoring server;
editing this copy changes nothing except your own understanding.
"""

import jax, jax.numpy as jnp
import numpy as np

# Constants matching sticky_config defaults used by the module
SINK_TOKENS = 4
OMEGA = 32
K_WINDOWS = 3
START_IDX = 2


def setup_inputs(seed: int = 0) -> dict:
    key = jax.random.key(seed)
    k1, k2, k3 = jax.random.split(key, 3)
    past_key = jax.random.normal(k1, (1, 16, 2048, 128), dtype=jnp.float32)
    past_value = jax.random.normal(k2, (1, 16, 2048, 128), dtype=jnp.float32)
    attn_score_cache = jax.random.uniform(k3, (1, 16, 256, 2048), dtype=jnp.float32)
    return {"past_key": past_key, "past_value": past_value, "attn_score_cache": attn_score_cache}


def reference(past_key, past_value, attn_score_cache):
    # Faithful translation of the prefill-path cache compression:
    # 1) accumulate per-window attention mass (segment-style reduce over omega-sized windows)
    # 2) select top (k_windows + start_idx) windows per head
    # 3) map window ids -> token ids via the window_to_token_map buffer
    # 4) gather sink + selected-window + local tokens from the KV cache per head
    B, H, S, D = past_key.shape
    sink = SINK_TOKENS
    omega = OMEGA
    num_windows = (S - sink) // omega
    score_end = sink + num_windows * omega
    local_count = S - score_end

    # window score accumulation (sum over query dim, then over omega tokens per window)
    scores_slice = attn_score_cache[0, :, :, sink:score_end]          # [H, q, W*omega]
    obs_sum = scores_slice.sum(axis=1)                                 # [H, W*omega]
    win_scores = obs_sum.reshape(H, num_windows, omega).sum(axis=2)    # [H, W]
    win_scores = win_scores.astype(jnp.float32)

    # per-head top-k window selection (cache_size budget = omega*(1+local_num+k_windows+start_idx)+sink)
    k_sel = K_WINDOWS + START_IDX
    _, top_idx = jax.lax.top_k(win_scores, k_sel)                      # [H, k_sel]
    top_idx = jnp.sort(top_idx, axis=1)

    # window_to_token_map: token = window_id * omega + sink + arange(omega)
    token_map = top_idx[:, :, None] * omega + sink + jnp.arange(omega)[None, None, :]
    sel_tok = token_map.reshape(H, k_sel * omega)                      # [H, k_sel*omega]

    sink_idx = jnp.broadcast_to(jnp.arange(sink), (H, sink))
    local_idx = jnp.broadcast_to(jnp.arange(score_end, S), (H, local_count))
    keep = jnp.concatenate([sink_idx, sel_tok, local_idx], axis=1)     # [H, kept]
    kept = keep.shape[1]

    gidx = jnp.broadcast_to(keep[None, :, :, None], (B, H, kept, D))
    new_k = jnp.take_along_axis(past_key, gidx, axis=2)                # [B, H, kept, D]
    new_v = jnp.take_along_axis(past_value, gidx, axis=2)              # [B, H, kept, D]
    return (new_k, new_v, win_scores)

if __name__ == "__main__":
    import jax
    _d = setup_inputs()
    print(jax.jit(kernel)(*tuple(_d.values())))

</pallas_src>

<mosaic_0001>
#map = affine_map<(d0, d1) -> (0, 0)>
#map1 = affine_map<(d0, d1) -> (0)>
module attributes {stable_mosaic.version = 14 : i64} {
  func.func @_gather_body(%arg0: i32, %arg1: i32, %arg2: memref<32768x128xf32, #tpu.memory_space<hbm>>, %arg3: memref<32768x128xf32, #tpu.memory_space<hbm>>, %arg4: memref<3072xi32, #tpu.memory_space<hbm>>, %arg5: memref<3072x128xf32, #tpu.memory_space<hbm>>, %arg6: memref<3072x128xf32, #tpu.memory_space<hbm>>, %arg7: memref<96xi32, #tpu.memory_space<vmem>>, %arg8: memref<96x128xf32, #tpu.memory_space<vmem>>, %arg9: memref<96x128xf32, #tpu.memory_space<vmem>>, %arg10: memref<!tpu.dma_semaphore, #tpu.memory_space<semaphore_mem>>, %arg11: memref<!tpu.dma_semaphore, #tpu.memory_space<semaphore_mem>>) attributes {dimension_semantics = [#tpu.dimension_semantics<core_parallel>, #tpu.dimension_semantics<subcore_parallel>], iteration_bounds = array<i64: 2, 16>, scalar_prefetch = 0 : i64, scratch_operands = 5 : i64, tpu.core_type = #tpu.core_type<sc_vector_subcore>, window_params = [{transform_indices = #map}, {transform_indices = #map}, {transform_indices = #map1}, {transform_indices = #map}, {transform_indices = #map}]} {
    %mul3A = arith.constant 2 : i32
    %mul3A_0 = arith.muli %arg1, %mul3A : i32
    %add3A = arith.addi %mul3A_0, %arg0 : i32
    %mul3A_1 = arith.constant 96 : i32
    %mul3A_2 = arith.muli %add3A, %mul3A_1 : i32
    "tpu.region"() ({
      %run_scoped3A = tpu.sem_alloc : memref<!tpu.dma_semaphore, #tpu.memory_space<semaphore_mem>>
      %dma_start3A_13 = tpu.memref_slice %arg4[%mul3A_2] : memref<3072xi32, #tpu.memory_space<hbm>> -> memref<96xi32, #tpu.memory_space<hbm>>
      %dma_start3A_14 = tpu.memref_slice %arg4[%mul3A_2] : memref<3072xi32, #tpu.memory_space<hbm>> -> memref<96xi32, #tpu.memory_space<hbm>>
      tpu.enqueue_dma source(%dma_start3A_14 : memref<96xi32, #tpu.memory_space<hbm>>) target(%arg7 : memref<96xi32, #tpu.memory_space<vmem>>) target_semaphore(%run_scoped3A : memref<!tpu.dma_semaphore, #tpu.memory_space<semaphore_mem>>)
      %dma_wait3A_15 = tpu.memref_slice %arg4[%mul3A_2] : memref<3072xi32, #tpu.memory_space<hbm>> -> memref<96xi32, #tpu.memory_space<hbm>>
      %dma_wait3A_16 = tpu.memref_slice %arg4[%mul3A_2] : memref<3072xi32, #tpu.memory_space<hbm>> -> memref<96xi32, #tpu.memory_space<hbm>>
      tpu.wait_dma2 semaphore(%run_scoped3A : memref<!tpu.dma_semaphore, #tpu.memory_space<semaphore_mem>>) src(%dma_wait3A_16 : memref<96xi32, #tpu.memory_space<hbm>>) dst(%arg7 : memref<96xi32, #tpu.memory_space<vmem>>)
      tpu.yield
    }) : () -> ()
    %dma_start3A = arith.constant 0 : i32
    %dma_start3A_3 = arith.constant 0 : i32
    %dma_start3A_4 = tpu.memref_slice %arg2[%dma_start3A, %dma_start3A_3] : memref<32768x128xf32, #tpu.memory_space<hbm>> -> memref<32768x128xf32, #tpu.memory_space<hbm>>
    tpu.enqueue_indirect_dma source(%dma_start3A_4 : memref<32768x128xf32, #tpu.memory_space<hbm>>) target(%arg8 : memref<96x128xf32, #tpu.memory_space<vmem>>) offsets(%arg7 : memref<96xi32, #tpu.memory_space<vmem>>) semaphore(%arg10 : memref<!tpu.dma_semaphore, #tpu.memory_space<semaphore_mem>>)
    %dma_start3A_5 = arith.constant 0 : i32
    %dma_start3A_6 = arith.constant 0 : i32
    %dma_start3A_7 = tpu.memref_slice %arg3[%dma_start3A_5, %dma_start3A_6] : memref<32768x128xf32, #tpu.memory_space<hbm>> -> memref<32768x128xf32, #tpu.memory_space<hbm>>
    tpu.enqueue_indirect_dma source(%dma_start3A_7 : memref<32768x128xf32, #tpu.memory_space<hbm>>) target(%arg9 : memref<96x128xf32, #tpu.memory_space<vmem>>) offsets(%arg7 : memref<96xi32, #tpu.memory_space<vmem>>) semaphore(%arg11 : memref<!tpu.dma_semaphore, #tpu.memory_space<semaphore_mem>>)
    %dma_wait3A = arith.constant 0 : i32
    %dma_wait3A_8 = arith.constant 0 : i32
    %dma_wait3A_9 = tpu.memref_slice %arg2[%dma_wait3A, %dma_wait3A_8] : memref<32768x128xf32, #tpu.memory_space<hbm>> -> memref<32768x128xf32, #tpu.memory_space<hbm>>
    tpu.wait_indirect_dma semaphore(%arg10 : memref<!tpu.dma_semaphore, #tpu.memory_space<semaphore_mem>>) src(%dma_wait3A_9 : memref<32768x128xf32, #tpu.memory_space<hbm>>) dst(%arg8 : memref<96x128xf32, #tpu.memory_space<vmem>>)
    %dma_wait3A_10 = arith.constant 0 : i32
    %dma_wait3A_11 = arith.constant 0 : i32
    %dma_wait3A_12 = tpu.memref_slice %arg3[%dma_wait3A_10, %dma_wait3A_11] : memref<32768x128xf32, #tpu.memory_space<hbm>> -> memref<32768x128xf32, #tpu.memory_space<hbm>>
    tpu.wait_indirect_dma semaphore(%arg11 : memref<!tpu.dma_semaphore, #tpu.memory_space<semaphore_mem>>) src(%dma_wait3A_12 : memref<32768x128xf32, #tpu.memory_space<hbm>>) dst(%arg9 : memref<96x128xf32, #tpu.memory_space<vmem>>)
    "tpu.region"() ({
      %run_scoped3A = tpu.sem_alloc : memref<!tpu.dma_semaphore, #tpu.memory_space<semaphore_mem>>
      %dma_start3A_13 = arith.constant 0 : i32
      %dma_start3A_14 = tpu.memref_slice %arg5[%mul3A_2, %dma_start3A_13] : memref<3072x128xf32, #tpu.memory_space<hbm>> -> memref<96x128xf32, #tpu.memory_space<hbm>>
      %dma_start3A_15 = arith.constant 0 : i32
      %dma_start3A_16 = tpu.memref_slice %arg5[%mul3A_2, %dma_start3A_15] : memref<3072x128xf32, #tpu.memory_space<hbm>> -> memref<96x128xf32, #tpu.memory_space<hbm>>
      tpu.enqueue_dma source(%arg8 : memref<96x128xf32, #tpu.memory_space<vmem>>) target(%dma_start3A_16 : memref<96x128xf32, #tpu.memory_space<hbm>>) target_semaphore(%run_scoped3A : memref<!tpu.dma_semaphore, #tpu.memory_space<semaphore_mem>>)
      %dma_wait3A_17 = arith.constant 0 : i32
      %dma_wait3A_18 = tpu.memref_slice %arg5[%mul3A_2, %dma_wait3A_17] : memref<3072x128xf32, #tpu.memory_space<hbm>> -> memref<96x128xf32, #tpu.memory_space<hbm>>
      %dma_wait3A_19 = arith.constant 0 : i32
      %dma_wait3A_20 = tpu.memref_slice %arg5[%mul3A_2, %dma_wait3A_19] : memref<3072x128xf32, #tpu.memory_space<hbm>> -> memref<96x128xf32, #tpu.memory_space<hbm>>
      tpu.wait_dma2 semaphore(%run_scoped3A : memref<!tpu.dma_semaphore, #tpu.memory_space<semaphore_mem>>) src(%arg8 : memref<96x128xf32, #tpu.memory_space<vmem>>) dst(%dma_wait3A_20 : memref<96x128xf32, #tpu.memory_space<hbm>>)
      tpu.yield
    }) : () -> ()
    "tpu.region"() ({
      %run_scoped3A = tpu.sem_alloc : memref<!tpu.dma_semaphore, #tpu.memory_space<semaphore_mem>>
      %dma_start3A_13 = arith.constant 0 : i32
      %dma_start3A_14 = tpu.memref_slice %arg6[%mul3A_2, %dma_start3A_13] : memref<3072x128xf32, #tpu.memory_space<hbm>> -> memref<96x128xf32, #tpu.memory_space<hbm>>
      %dma_start3A_15 = arith.constant 0 : i32
      %dma_start3A_16 = tpu.memref_slice %arg6[%mul3A_2, %dma_start3A_15] : memref<3072x128xf32, #tpu.memory_space<hbm>> -> memref<96x128xf32, #tpu.memory_space<hbm>>
      tpu.enqueue_dma source(%arg9 : memref<96x128xf32, #tpu.memory_space<vmem>>) target(%dma_start3A_16 : memref<96x128xf32, #tpu.memory_space<hbm>>) target_semaphore(%run_scoped3A : memref<!tpu.dma_semaphore, #tpu.memory_space<semaphore_mem>>)
      %dma_wait3A_17 = arith.constant 0 : i32
      %dma_wait3A_18 = tpu.memref_slice %arg6[%mul3A_2, %dma_wait3A_17] : memref<3072x128xf32, #tpu.memory_space<hbm>> -> memref<96x128xf32, #tpu.memory_space<hbm>>
      %dma_wait3A_19 = arith.constant 0 : i32
      %dma_wait3A_20 = tpu.memref_slice %arg6[%mul3A_2, %dma_wait3A_19] : memref<3072x128xf32, #tpu.memory_space<hbm>> -> memref<96x128xf32, #tpu.memory_space<hbm>>
      tpu.wait_dma2 semaphore(%run_scoped3A : memref<!tpu.dma_semaphore, #tpu.memory_space<semaphore_mem>>) src(%arg9 : memref<96x128xf32, #tpu.memory_space<vmem>>) dst(%dma_wait3A_20 : memref<96x128xf32, #tpu.memory_space<hbm>>)
      tpu.yield
    }) : () -> ()
    return
  }
}

module attributes {stable_mosaic.version = 14 : i64} {
  func.func @_score_select_kernel(%arg0: i32, %arg1: memref<1x4x64x2048xf32, #tpu.memory_space<vmem>>, %arg2: memref<1x4x64x2048xf32, #tpu.memory_space<vmem>>, %arg3: memref<1x4x64x2048xf32, #tpu.memory_space<vmem>>, %arg4: memref<1x4x64x2048xf32, #tpu.memory_space<vmem>>, %arg5: memref<16x63xf32, #tpu.memory_space<vmem>>, %arg6: memref<16x192xi32, #tpu.memory_space<vmem>>, %arg7: memref<16x2048xf32, #tpu.memory_space<vmem>>) attributes {dimension_semantics = [#tpu.dimension_semantics<arbitrary>], iteration_bounds = array<i64: 4>, scalar_prefetch = 0 : i64, scratch_operands = 1 : i64, tpu.core_type = #tpu.core_type<tc>, window_params = [{transform_indices = @transform_0, window_bounds = array<i64: 1, 4, 64, 2048>}, {transform_indices = @transform_1, window_bounds = array<i64: 1, 4, 64, 2048>}, {transform_indices = @transform_2, window_bounds = array<i64: 1, 4, 64, 2048>}, {transform_indices = @transform_3, window_bounds = array<i64: 1, 4, 64, 2048>}, {pipeline_mode = #tpu.pipeline_mode<synchronous>, transform_indices = @transform_4, window_bounds = array<i64: 16, 63>}, {pipeline_mode = #tpu.pipeline_mode<synchronous>, transform_indices = @transform_5, window_bounds = array<i64: 16, 192>}]} {
    %get3A = arith.constant 0 : index
    %get3A_0 = arith.constant 0 : index
    %get3A_1 = arith.constant 0 : index
    %get3A_2 = arith.constant 0 : index
    %get3A_3 = vector.load %arg1[%get3A, %get3A_0, %get3A_1, %get3A_2] : memref<1x4x64x2048xf32, #tpu.memory_space<vmem>>, vector<1x4x64x2048xf32>
    %get3A_4 = vector.shape_cast %get3A_3 : vector<1x4x64x2048xf32> to vector<4x64x2048xf32>
    %reduce_sum3A = arith.constant dense<0.000000e+00> : vector<4x2048xf32>
    %reduce_sum3A_5 = vector.multi_reduction <add>, %get3A_4, %reduce_sum3A [1] : vector<4x64x2048xf32> to vector<4x2048xf32>
    %get3A_6 = arith.constant 0 : index
    %get3A_7 = arith.constant 0 : index
    %get3A_8 = arith.constant 0 : index
    %get3A_9 = arith.constant 0 : index
    %get3A_10 = vector.load %arg2[%get3A_6, %get3A_7, %get3A_8, %get3A_9] : memref<1x4x64x2048xf32, #tpu.memory_space<vmem>>, vector<1x4x64x2048xf32>
    %get3A_11 = vector.shape_cast %get3A_10 : vector<1x4x64x2048xf32> to vector<4x64x2048xf32>
    %reduce_sum3A_12 = arith.constant dense<0.000000e+00> : vector<4x2048xf32>
    %reduce_sum3A_13 = vector.multi_reduction <add>, %get3A_11, %reduce_sum3A_12 [1] : vector<4x64x2048xf32> to vector<4x2048xf32>
    %add3A = arith.addf %reduce_sum3A_5, %reduce_sum3A_13 : vector<4x2048xf32>
    %get3A_14 = arith.constant 0 : index
    %get3A_15 = arith.constant 0 : index
    %get3A_16 = arith.constant 0 : index
    %get3A_17 = arith.constant 0 : index
    %get3A_18 = vector.load %arg3[%get3A_14, %get3A_15, %get3A_16, %get3A_17] : memref<1x4x64x2048xf32, #tpu.memory_space<vmem>>, vector<1x4x64x2048xf32>
    %get3A_19 = vector.shape_cast %get3A_18 : vector<1x4x64x2048xf32> to vector<4x64x2048xf32>
    %reduce_sum3A_20 = arith.constant dense<0.000000e+00> : vector<4x2048xf32>
    %reduce_sum3A_21 = vector.multi_reduction <add>, %get3A_19, %reduce_sum3A_20 [1] : vector<4x64x2048xf32> to vector<4x2048xf32>
    %get3A_22 = arith.constant 0 : index
    %get3A_23 = arith.constant 0 : index
    %get3A_24 = arith.constant 0 : index
    %get3A_25 = arith.constant 0 : index
    %get3A_26 = vector.load %arg4[%get3A_22, %get3A_23, %get3A_24, %get3A_25] : memref<1x4x64x2048xf32, #tpu.memory_space<vmem>>, vector<1x4x64x2048xf32>
    %get3A_27 = vector.shape_cast %get3A_26 : vector<1x4x64x2048xf32> to vector<4x64x2048xf32>
    %reduce_sum3A_28 = arith.constant dense<0.000000e+00> : vector<4x2048xf32>
    %reduce_sum3A_29 = vector.multi_reduction <add>, %get3A_27, %reduce_sum3A_28 [1] : vector<4x64x2048xf32> to vector<4x2048xf32>
    %add3A_30 = arith.addf %reduce_sum3A_21, %reduce_sum3A_29 : vector<4x2048xf32>
    %add3A_31 = arith.addf %add3A, %add3A_30 : vector<4x2048xf32>
    %slice3A = vector.extract_strided_slice %add3A_31 {offsets = [0, 0], sizes = [1, 2048], strides = [1, 1]} : vector<4x2048xf32> to vector<1x2048xf32>
    %mul3A = arith.constant 4 : i32
    %mul3A_32 = arith.muli %arg0, %mul3A : i32
    %add3A_33 = arith.constant 0 : i32
    %add3A_34 = arith.addi %mul3A_32, %add3A_33 : i32
    %swap3A = arith.index_cast %add3A_34 : i32 to index
    %swap3A_35 = arith.constant 0 : index
    %swap3A_36 = vector.load %arg7[%swap3A, %swap3A_35] : memref<16x2048xf32, #tpu.memory_space<vmem>>, vector<1x2048xf32>
    tpu.vector_store %arg7[%swap3A, %swap3A_35], %slice3A {strides = array<i32>} : memref<16x2048xf32, #tpu.memory_space<vmem>>, vector<1x2048xf32>,
    %slice3A_37 = vector.extract_strided_slice %add3A_31 {offsets = [1, 0], sizes = [1, 2048], strides = [1, 1]} : vector<4x2048xf32> to vector<1x2048xf32>
    %mul3A_38 = arith.constant 4 : i32
    %mul3A_39 = arith.muli %arg0, %mul3A_38 : i32
    %add3A_40 = arith.constant 1 : i32
    %add3A_41 = arith.addi %mul3A_39, %add3A_40 : i32
    %swap3A_42 = arith.index_cast %add3A_41 : i32 to index
    %swap3A_43 = arith.constant 0 : index
    %swap3A_44 = vector.load %arg7[%swap3A_42, %swap3A_43] : memref<16x2048xf32, #tpu.memory_space<vmem>>, vector<1x2048xf32>
    tpu.vector_store %arg7[%swap3A_42, %swap3A_43], %slice3A_37 {strides = array<i32>} : memref<16x2048xf32, #tpu.memory_space<vmem>>, vector<1x2048xf32>,
    %slice3A_45 = vector.extract_strided_slice %add3A_31 {offsets = [2, 0], sizes = [1, 2048], strides = [1, 1]} : vector<4x2048xf32> to vector<1x2048xf32>
    %mul3A_46 = arith.constant 4 : i32
    %mul3A_47 = arith.muli %arg0, %mul3A_46 : i32
    %add3A_48 = arith.constant 2 : i32
    %add3A_49 = arith.addi %mul3A_47, %add3A_48 : i32
    %swap3A_50 = arith.index_cast %add3A_49 : i32 to index
    %swap3A_51 = arith.constant 0 : index
    %swap3A_52 = vector.load %arg7[%swap3A_50, %swap3A_51] : memref<16x2048xf32, #tpu.memory_space<vmem>>, vector<1x2048xf32>
    tpu.vector_store %arg7[%swap3A_50, %swap3A_51], %slice3A_45 {strides = array<i32>} : memref<16x2048xf32, #tpu.memory_space<vmem>>, vector<1x2048xf32>,
    %slice3A_53 = vector.extract_strided_slice %add3A_31 {offsets = [3, 0], sizes = [1, 2048], strides = [1, 1]} : vector<4x2048xf32> to vector<1x2048xf32>
    %mul3A_54 = arith.constant 4 : i32
    %mul3A_55 = arith.muli %arg0, %mul3A_54 : i32
    %add3A_56 = arith.constant 3 : i32
    %add3A_57 = arith.addi %mul3A_55, %add3A_56 : i32
    %swap3A_58 = arith.index_cast %add3A_57 : i32 to index
    %swap3A_59 = arith.constant 0 : index
    %swap3A_60 = vector.load %arg7[%swap3A_58, %swap3A_59] : memref<16x2048xf32, #tpu.memory_space<vmem>>, vector<1x2048xf32>
    tpu.vector_store %arg7[%swap3A_58, %swap3A_59], %slice3A_53 {strides = array<i32>} : memref<16x2048xf32, #tpu.memory_space<vmem>>, vector<1x2048xf32>,
    %eq3A = arith.constant 3 : i32
    %eq3A_61 = arith.cmpi eq, %arg0, %eq3A : i32
    %convert_element_type3A = arith.extui %eq3A_61 : i1 to i32
    %cond3A = arith.constant 0 : i32
    %cond3A_62 = arith.cmpi ne, %convert_element_type3A, %cond3A : i32
    scf.if %cond3A_62 {
      %get3A_63 = arith.constant 0 : index
      %get3A_64 = arith.constant 0 : index
      %get3A_65 = vector.load %arg7[%get3A_63, %get3A_64] : memref<16x2048xf32, #tpu.memory_space<vmem>>, vector<16x2048xf32>
      %iota3A = tpu.iota {dimensions = array<i32: 0>} : vector<2048x64xi32>
      %iota3A_66 = tpu.iota {dimensions = array<i32: 1>} : vector<2048x64xi32>
      %ge3A = arith.constant 4 : i32
      %ge3A_67 = vector.broadcast %ge3A : i32 to vector<2048x64xi32>
      %ge3A_68 = arith.cmpi sge, %iota3A, %ge3A_67 : vector<2048x64xi32>
      %lt3A = arith.constant 2020 : i32
      %lt3A_69 = vector.broadcast %lt3A : i32 to vector<2048x64xi32>
      %lt3A_70 = arith.cmpi slt, %iota3A, %lt3A_69 : vector<2048x64xi32>
      %and3A = arith.andi %ge3A_68, %lt3A_70 : vector<2048x64xi1>
      %sub3A = arith.constant 4 : i32
      %sub3A_71 = vector.broadcast %sub3A : i32 to vector<2048x64xi32>
      %sub3A_72 = arith.subi %iota3A, %sub3A_71 : vector<2048x64xi32>
      %jit3A = arith.constant 32 : i32
      %div3A = vector.broadcast %jit3A : i32 to vector<2048x64xi32>
      %div3A_73 = arith.divsi %sub3A_72, %div3A : vector<2048x64xi32>
      %sign3A = arith.constant 0 : i32
      %sign3A_74 = vector.broadcast %sign3A : i32 to vector<2048x64xi32>
      %sign3A_75 = arith.cmpi sgt, %sub3A_72, %sign3A_74 : vector<2048x64xi32>
      %sign3A_76 = arith.extui %sign3A_75 : vector<2048x64xi1> to vector<2048x64xi32>
      %sign3A_77 = arith.constant 0 : i32
      %sign3A_78 = vector.broadcast %sign3A_77 : i32 to vector<2048x64xi32>
      %sign3A_79 = arith.cmpi slt, %sub3A_72, %sign3A_78 : vector<2048x64xi32>
      %sign3A_80 = arith.extui %sign3A_79 : vector<2048x64xi1> to vector<2048x64xi32>
      %sign3A_81 = arith.subi %sign3A_76, %sign3A_80 : vector<2048x64xi32>
      %sign3A_82 = arith.constant 0 : i32
      %sign3A_83 = arith.cmpi sgt, %jit3A, %sign3A_82 : i32
      %sign3A_84 = arith.extui %sign3A_83 : i1 to i32
      %sign3A_85 = arith.constant 0 : i32
      %sign3A_86 = arith.cmpi slt, %jit3A, %sign3A_85 : i32
      %sign3A_87 = arith.extui %sign3A_86 : i1 to i32
      %sign3A_88 = arith.subi %sign3A_84, %sign3A_87 : i32
      %ne3A = vector.broadcast %sign3A_88 : i32 to vector<2048x64xi32>
      %ne3A_89 = arith.cmpi ne, %sign3A_81, %ne3A : vector<2048x64xi32>
      %rem3A = vector.broadcast %jit3A : i32 to vector<2048x64xi32>
      %rem3A_90 = arith.remsi %sub3A_72, %rem3A : vector<2048x64xi32>
      %ne3A_91 = arith.constant 0 : i32
      %ne3A_92 = vector.broadcast %ne3A_91 : i32 to vector<2048x64xi32>
      %ne3A_93 = arith.cmpi ne, %rem3A_90, %ne3A_92 : vector<2048x64xi32>
      %and3A_94 = arith.andi %ne3A_89, %ne3A_93 : vector<2048x64xi1>
      %sub3A_95 = arith.constant 1 : i32
      %sub3A_96 = vector.broadcast %sub3A_95 : i32 to vector<2048x64xi32>
      %sub3A_97 = arith.subi %div3A_73, %sub3A_96 : vector<2048x64xi32>
      %select_n3A = arith.select %and3A_94, %sub3A_97, %div3A_73 : vector<2048x64xi1>, vector<2048x64xi32>
      %eq3A_98 = arith.cmpi eq, %select_n3A, %iota3A_66 : vector<2048x64xi32>
      %and3A_99 = arith.andi %and3A, %eq3A_98 : vector<2048x64xi1>
      %convert_element_type3A_100 = arith.extui %and3A_99 : vector<2048x64xi1> to vector<2048x64xi32>
      %convert_element_type3A_101 = arith.sitofp %convert_element_type3A_100 : vector<2048x64xi32> to vector<2048x64xf32>
      %dot_general3A = arith.constant dense<0.000000e+00> : vector<16x64xf32>
      %dot_general3A_102 = tpu.matmul %get3A_65, %convert_element_type3A_101, %dot_general3A {dimension_numbers = #tpu.dot_dimension_numbers<[1], [0], [0], [1], [0, 0, 1, 1], [], []>, precision = #tpu.contract_precision<fp32>, transpose_lhs_hint = false} : vector<16x2048xf32>, vector<2048x64xf32>, vector<16x64xf32> -> vector<16x64xf32>
      %slice3A_103 = vector.extract_strided_slice %dot_general3A_102 {offsets = [0, 0], sizes = [16, 63], strides = [1, 1]} : vector<16x64xf32> to vector<16x63xf32>
      %swap3A_104 = arith.constant 0 : index
      %swap3A_105 = arith.constant 0 : index
      %swap3A_106 = vector.load %arg5[%swap3A_104, %swap3A_105] : memref<16x63xf32, #tpu.memory_space<vmem>>, vector<16x63xf32>
      tpu.vector_store %arg5[%swap3A_104, %swap3A_105], %slice3A_103 {strides = array<i32>} : memref<16x63xf32, #tpu.memory_space<vmem>>, vector<16x63xf32>,
      %iota3A_107 = tpu.iota {dimensions = array<i32: 1>} : vector<16x64xi32>
      %lt3A_108 = arith.constant 63 : i32
      %lt3A_109 = vector.broadcast %lt3A_108 : i32 to vector<16x64xi32>
      %lt3A_110 = arith.cmpi slt, %iota3A_107, %lt3A_109 : vector<16x64xi32>
      %jit3A_111 = arith.constant 0xFF800000 : f32
      %broadcast_in_dim3A = vector.broadcast %jit3A_111 : f32 to vector<16x64xf32>
      %select_n3A_112 = arith.select %lt3A_110, %dot_general3A_102, %broadcast_in_dim3A : vector<16x64xi1>, vector<16x64xf32>
      %reduce_max3A = arith.constant dense<0xFF800000> : vector<16xf32>
      %reduce_max3A_113 = vector.multi_reduction <maximumf>, %select_n3A_112, %reduce_max3A [1] : vector<16x64xf32> to vector<16xf32>
      %broadcast_in_dim3A_114 = vector.shape_cast %reduce_max3A_113 : vector<16xf32> to vector<16x1xf32>
      %eq3A_115 = vector.broadcast %broadcast_in_dim3A_114 : vector<16x1xf32> to vector<16x64xf32>
      %eq3A_116 = arith.cmpf oeq, %select_n3A_112, %eq3A_115 : vector<16x64xf32>
      %jit3A_117 = arith.constant 1073741824 : i32
      %broadcast_in_dim3A_118 = vector.broadcast %jit3A_117 : i32 to vector<16x64xi32>
      %select_n3A_119 = arith.select %eq3A_116, %iota3A_107, %broadcast_in_dim3A_118 : vector<16x64xi1>, vector<16x64xi32>
      %reduce_min3A = arith.constant dense<2147483647> : vector<16xi32>
      %reduce_min3A_120 = vector.multi_reduction <minsi>, %select_n3A_119, %reduce_min3A [1] : vector<16x64xi32> to vector<16xi32>
      %broadcast_in_dim3A_121 = vector.shape_cast %reduce_min3A_120 : vector<16xi32> to vector<16x1xi32>
      %eq3A_122 = vector.broadcast %broadcast_in_dim3A_121 : vector<16x1xi32> to vector<16x64xi32>
      %eq3A_123 = arith.cmpi eq, %iota3A_107, %eq3A_122 : vector<16x64xi32>
      %jit3A_124 = arith.constant 0xFF800000 : f32
      %broadcast_in_dim3A_125 = vector.broadcast %jit3A_124 : f32 to vector<16x64xf32>
      %select_n3A_126 = arith.select %eq3A_123, %broadcast_in_dim3A_125, %select_n3A_112 : vector<16x64xi1>, vector<16x64xf32>
      %reduce_max3A_127 = arith.constant dense<0xFF800000> : vector<16xf32>
      %reduce_max3A_128 = vector.multi_reduction <maximumf>, %select_n3A_126, %reduce_max3A_127 [1] : vector<16x64xf32> to vector<16xf32>
      %broadcast_in_dim3A_129 = vector.shape_cast %reduce_max3A_128 : vector<16xf32> to vector<16x1xf32>
      %eq3A_130 = vector.broadcast %broadcast_in_dim3A_129 : vector<16x1xf32> to vector<16x64xf32>
      %eq3A_131 = arith.cmpf oeq, %select_n3A_126, %eq3A_130 : vector<16x64xf32>
      %jit3A_132 = arith.constant 1073741824 : i32
      %broadcast_in_dim3A_133 = vector.broadcast %jit3A_132 : i32 to vector<16x64xi32>
      %select_n3A_134 = arith.select %eq3A_131, %iota3A_107, %broadcast_in_dim3A_133 : vector<16x64xi1>, vector<16x64xi32>
      %reduce_min3A_135 = arith.constant dense<2147483647> : vector<16xi32>
      %reduce_min3A_136 = vector.multi_reduction <minsi>, %select_n3A_134, %reduce_min3A_135 [1] : vector<16x64xi32> to vector<16xi32>
      %broadcast_in_dim3A_137 = vector.shape_cast %reduce_min3A_136 : vector<16xi32> to vector<16x1xi32>
      %eq3A_138 = vector.broadcast %broadcast_in_dim3A_137 : vector<16x1xi32> to vector<16x64xi32>
      %eq3A_139 = arith.cmpi eq, %iota3A_107, %eq3A_138 : vector<16x64xi32>
      %jit3A_140 = arith.constant 0xFF800000 : f32
      %broadcast_in_dim3A_141 = vector.broadcast %jit3A_140 : f32 to vector<16x64xf32>
      %select_n3A_142 = arith.select %eq3A_139, %broadcast_in_dim3A_141, %select_n3A_126 : vector<16x64xi1>, vector<16x64xf32>
      %reduce_max3A_143 = arith.constant dense<0xFF800000> : vector<16xf32>
      %reduce_max3A_144 = vector.multi_reduction <maximumf>, %select_n3A_142, %reduce_max3A_143 [1] : vector<16x64xf32> to vector<16xf32>
      %broadcast_in_dim3A_145 = vector.shape_cast %reduce_max3A_144 : vector<16xf32> to vector<16x1xf32>
      %eq3A_146 = vector.broadcast %broadcast_in_dim3A_145 : vector<16x1xf32> to vector<16x64xf32>
      %eq3A_147 = arith.cmpf oeq, %select_n3A_142, %eq3A_146 : vector<16x64xf32>
      %jit3A_148 = arith.constant 1073741824 : i32
      %broadcast_in_dim3A_149 = vector.broadcast %jit3A_148 : i32 to vector<16x64xi32>
      %select_n3A_150 = arith.select %eq3A_147, %iota3A_107, %broadcast_in_dim3A_149 : vector<16x64xi1>, vector<16x64xi32>
      %reduce_min3A_151 = arith.constant dense<2147483647> : vector<16xi32>
      %reduce_min3A_152 = vector.multi_reduction <minsi>, %select_n3A_150, %reduce_min3A_151 [1] : vector<16x64xi32> to vector<16xi32>
      %broadcast_in_dim3A_153 = vector.shape_cast %reduce_min3A_152 : vector<16xi32> to vector<16x1xi32>
      %eq3A_154 = vector.broadcast %broadcast_in_dim3A_153 : vector<16x1xi32> to vector<16x64xi32>
      %eq3A_155 = arith.cmpi eq, %iota3A_107, %eq3A_154 : vector<16x64xi32>
      %jit3A_156 = arith.constant 0xFF800000 : f32
      %broadcast_in_dim3A_157 = vector.broadcast %jit3A_156 : f32 to vector<16x64xf32>
      %select_n3A_158 = arith.select %eq3A_155, %broadcast_in_dim3A_157, %select_n3A_142 : vector<16x64xi1>, vector<16x64xf32>
      %reduce_max3A_159 = arith.constant dense<0xFF800000> : vector<16xf32>
      %reduce_max3A_160 = vector.multi_reduction <maximumf>, %select_n3A_158, %reduce_max3A_159 [1] : vector<16x64xf32> to vector<16xf32>
      %broadcast_in_dim3A_161 = vector.shape_cast %reduce_max3A_160 : vector<16xf32> to vector<16x1xf32>
      %eq3A_162 = vector.broadcast %broadcast_in_dim3A_161 : vector<16x1xf32> to vector<16x64xf32>
      %eq3A_163 = arith.cmpf oeq, %select_n3A_158, %eq3A_162 : vector<16x64xf32>
      %jit3A_164 = arith.constant 1073741824 : i32
      %broadcast_in_dim3A_165 = vector.broadcast %jit3A_164 : i32 to vector<16x64xi32>
      %select_n3A_166 = arith.select %eq3A_163, %iota3A_107, %broadcast_in_dim3A_165 : vector<16x64xi1>, vector<16x64xi32>
      %reduce_min3A_167 = arith.constant dense<2147483647> : vector<16xi32>
      %reduce_min3A_168 = vector.multi_reduction <minsi>, %select_n3A_166, %reduce_min3A_167 [1] : vector<16x64xi32> to vector<16xi32>
      %broadcast_in_dim3A_169 = vector.shape_cast %reduce_min3A_168 : vector<16xi32> to vector<16x1xi32>
      %eq3A_170 = vector.broadcast %broadcast_in_dim3A_169 : vector<16x1xi32> to vector<16x64xi32>
      %eq3A_171 = arith.cmpi eq, %iota3A_107, %eq3A_170 : vector<16x64xi32>
      %jit3A_172 = arith.constant 0xFF800000 : f32
      %broadcast_in_dim3A_173 = vector.broadcast %jit3A_172 : f32 to vector<16x64xf32>
      %select_n3A_174 = arith.select %eq3A_171, %broadcast_in_dim3A_173, %select_n3A_158 : vector<16x64xi1>, vector<16x64xf32>
      %reduce_max3A_175 = arith.constant dense<0xFF800000> : vector<16xf32>
      %reduce_max3A_176 = vector.multi_reduction <maximumf>, %select_n3A_174, %reduce_max3A_175 [1] : vector<16x64xf32> to vector<16xf32>
      %broadcast_in_dim3A_177 = vector.shape_cast %reduce_max3A_176 : vector<16xf32> to vector<16x1xf32>
      %eq3A_178 = vector.broadcast %broadcast_in_dim3A_177 : vector<16x1xf32> to vector<16x64xf32>
      %eq3A_179 = arith.cmpf oeq, %select_n3A_174, %eq3A_178 : vector<16x64xf32>
      %jit3A_180 = arith.constant 1073741824 : i32
      %broadcast_in_dim3A_181 = vector.broadcast %jit3A_180 : i32 to vector<16x64xi32>
      %select_n3A_182 = arith.select %eq3A_179, %iota3A_107, %broadcast_in_dim3A_181 : vector<16x64xi1>, vector<16x64xi32>
      %reduce_min3A_183 = arith.constant dense<2147483647> : vector<16xi32>
      %reduce_min3A_184 = vector.multi_reduction <minsi>, %select_n3A_182, %reduce_min3A_183 [1] : vector<16x64xi32> to vector<16xi32>
      %broadcast_in_dim3A_185 = vector.shape_cast %reduce_min3A_184 : vector<16xi32> to vector<16x1xi32>
      %min3A = arith.minsi %broadcast_in_dim3A_121, %broadcast_in_dim3A_137 : vector<16x1xi32>
      %max3A = arith.maxsi %broadcast_in_dim3A_121, %broadcast_in_dim3A_137 : vector<16x1xi32>
      %min3A_186 = arith.minsi %max3A, %broadcast_in_dim3A_153 : vector<16x1xi32>
      %max3A_187 = arith.maxsi %max3A, %broadcast_in_dim3A_153 : vector<16x1xi32>
      %min3A_188 = arith.minsi %max3A_187, %broadcast_in_dim3A_169 : vector<16x1xi32>
      %max3A_189 = arith.maxsi %max3A_187, %broadcast_in_dim3A_169 : vector<16x1xi32>
      %min3A_190 = arith.minsi %max3A_189, %broadcast_in_dim3A_185 : vector<16x1xi32>
      %max3A_191 = arith.maxsi %max3A_189, %broadcast_in_dim3A_185 : vector<16x1xi32>
      %min3A_192 = arith.minsi %min3A, %min3A_186 : vector<16x1xi32>
      %max3A_193 = arith.maxsi %min3A, %min3A_186 : vector<16x1xi32>
      %min3A_194 = arith.minsi %max3A_193, %min3A_188 : vector<16x1xi32>
      %max3A_195 = arith.maxsi %max3A_193, %min3A_188 : vector<16x1xi32>
      %min3A_196 = arith.minsi %max3A_195, %min3A_190 : vector<16x1xi32>
      %max3A_197 = arith.maxsi %max3A_195, %min3A_190 : vector<16x1xi32>
      %min3A_198 = arith.minsi %min3A_192, %min3A_194 : vector<16x1xi32>
      %max3A_199 = arith.maxsi %min3A_192, %min3A_194 : vector<16x1xi32>
      %min3A_200 = arith.minsi %max3A_199, %min3A_196 : vector<16x1xi32>
      %max3A_201 = arith.maxsi %max3A_199, %min3A_196 : vector<16x1xi32>
      %min3A_202 = arith.minsi %min3A_198, %min3A_200 : vector<16x1xi32>
      %max3A_203 = arith.maxsi %min3A_198, %min3A_200 : vector<16x1xi32>
      %iota3A_204 = tpu.iota {dimensions = array<i32: 1>} : vector<16x192xi32>
      %sub3A_205 = arith.constant 4 : i32
      %sub3A_206 = vector.broadcast %sub3A_205 : i32 to vector<16x192xi32>
      %sub3A_207 = arith.subi %iota3A_204, %sub3A_206 : vector<16x192xi32>
      %jit3A_208 = arith.constant 32 : i32
      %div3A_209 = vector.broadcast %jit3A_208 : i32 to vector<16x192xi32>
      %div3A_210 = arith.divsi %sub3A_207, %div3A_209 : vector<16x192xi32>
      %sign3A_211 = arith.constant 0 : i32
      %sign3A_212 = vector.broadcast %sign3A_211 : i32 to vector<16x192xi32>
      %sign3A_213 = arith.cmpi sgt, %sub3A_207, %sign3A_212 : vector<16x192xi32>
      %sign3A_214 = arith.extui %sign3A_213 : vector<16x192xi1> to vector<16x192xi32>
      %sign3A_215 = arith.constant 0 : i32
      %sign3A_216 = vector.broadcast %sign3A_215 : i32 to vector<16x192xi32>
      %sign3A_217 = arith.cmpi slt, %sub3A_207, %sign3A_216 : vector<16x192xi32>
      %sign3A_218 = arith.extui %sign3A_217 : vector<16x192xi1> to vector<16x192xi32>
      %sign3A_219 = arith.subi %sign3A_214, %sign3A_218 : vector<16x192xi32>
      %sign3A_220 = arith.constant 0 : i32
      %sign3A_221 = arith.cmpi sgt, %jit3A_208, %sign3A_220 : i32
      %sign3A_222 = arith.extui %sign3A_221 : i1 to i32
      %sign3A_223 = arith.constant 0 : i32
      %sign3A_224 = arith.cmpi slt, %jit3A_208, %sign3A_223 : i32
      %sign3A_225 = arith.extui %sign3A_224 : i1 to i32
      %sign3A_226 = arith.subi %sign3A_222, %sign3A_225 : i32
      %ne3A_227 = vector.broadcast %sign3A_226 : i32 to vector<16x192xi32>
      %ne3A_228 = arith.cmpi ne, %sign3A_219, %ne3A_227 : vector<16x192xi32>
      %rem3A_229 = vector.broadcast %jit3A_208 : i32 to vector<16x192xi32>
      %rem3A_230 = arith.remsi %sub3A_207, %rem3A_229 : vector<16x192xi32>
      %ne3A_231 = arith.constant 0 : i32
      %ne3A_232 = vector.broadcast %ne3A_231 : i32 to vector<16x192xi32>
      %ne3A_233 = arith.cmpi ne, %rem3A_230, %ne3A_232 : vector<16x192xi32>
      %and3A_234 = arith.andi %ne3A_228, %ne3A_233 : vector<16x192xi1>
      %sub3A_235 = arith.constant 1 : i32
      %sub3A_236 = vector.broadcast %sub3A_235 : i32 to vector<16x192xi32>
      %sub3A_237 = arith.subi %div3A_210, %sub3A_236 : vector<16x192xi32>
      %select_n3A_238 = arith.select %and3A_234, %sub3A_237, %div3A_210 : vector<16x192xi1>, vector<16x192xi32>
      %sub3A_239 = arith.constant 4 : i32
      %sub3A_240 = vector.broadcast %sub3A_239 : i32 to vector<16x192xi32>
      %sub3A_241 = arith.subi %iota3A_204, %sub3A_240 : vector<16x192xi32>
      %jit3A_242 = arith.constant 32 : i32
      %eq3A_243 = arith.constant 0 : i32
      %eq3A_244 = arith.cmpi eq, %jit3A_242, %eq3A_243 : i32
      %jit3A_245 = arith.constant 1 : i32
      %select_n3A_246 = arith.select %eq3A_244, %jit3A_245, %jit3A_242 : i32
      %rem3A_247 = vector.broadcast %select_n3A_246 : i32 to vector<16x192xi32>
      %rem3A_248 = arith.remsi %sub3A_241, %rem3A_247 : vector<16x192xi32>
      %ne3A_249 = arith.constant 0 : i32
      %ne3A_250 = vector.broadcast %ne3A_249 : i32 to vector<16x192xi32>
      %ne3A_251 = arith.cmpi ne, %rem3A_248, %ne3A_250 : vector<16x192xi32>
      %lt3A_252 = arith.constant 0 : i32
      %lt3A_253 = vector.broadcast %lt3A_252 : i32 to vector<16x192xi32>
      %lt3A_254 = arith.cmpi slt, %rem3A_248, %lt3A_253 : vector<16x192xi32>
      %lt3A_255 = arith.constant 0 : i32
      %lt3A_256 = arith.cmpi slt, %select_n3A_246, %lt3A_255 : i32
      %ne3A_257 = vector.broadcast %lt3A_256 : i1 to vector<16x192xi1>
      %ne3A_258 = vector.broadcast %ne3A_257 : vector<16x192xi1> to vector<16x192xi1>
      %ne3A_259 = arith.xori %lt3A_254, %ne3A_258 : vector<16x192xi1>
      %and3A_260 = arith.andi %ne3A_259, %ne3A_251 : vector<16x192xi1>
      %add3A_261 = vector.broadcast %select_n3A_246 : i32 to vector<16x192xi32>
      %add3A_262 = arith.addi %rem3A_248, %add3A_261 : vector<16x192xi32>
      %select_n3A_263 = arith.select %and3A_260, %add3A_262, %rem3A_248 : vector<16x192xi1>, vector<16x192xi32>
      %broadcast_in_dim3A_264 = arith.constant 0 : i32
      %broadcast_in_dim3A_265 = vector.broadcast %broadcast_in_dim3A_264 : i32 to vector<16x192xi32>
      %eq3A_266 = arith.constant 0 : i32
      %eq3A_267 = vector.broadcast %eq3A_266 : i32 to vector<16x192xi32>
      %eq3A_268 = arith.cmpi eq, %select_n3A_238, %eq3A_267 : vector<16x192xi32>
      %broadcast_in_dim3A_269 = vector.shape_cast %min3A_202 : vector<16x1xi32> to vector<16x1xi32>
      %broadcast_in_dim3A_270 = vector.broadcast %broadcast_in_dim3A_269 : vector<16x1xi32> to vector<16x192xi32>
      %select_n3A_271 = arith.select %eq3A_268, %broadcast_in_dim3A_270, %broadcast_in_dim3A_265 : vector<16x192xi1>, vector<16x192xi32>
      %eq3A_272 = arith.constant 1 : i32
      %eq3A_273 = vector.broadcast %eq3A_272 : i32 to vector<16x192xi32>
      %eq3A_274 = arith.cmpi eq, %select_n3A_238, %eq3A_273 : vector<16x192xi32>
      %broadcast_in_dim3A_275 = vector.shape_cast %max3A_203 : vector<16x1xi32> to vector<16x1xi32>
      %broadcast_in_dim3A_276 = vector.broadcast %broadcast_in_dim3A_275 : vector<16x1xi32> to vector<16x192xi32>
      %select_n3A_277 = arith.select %eq3A_274, %broadcast_in_dim3A_276, %select_n3A_271 : vector<16x192xi1>, vector<16x192xi32>
      %eq3A_278 = arith.constant 2 : i32
      %eq3A_279 = vector.broadcast %eq3A_278 : i32 to vector<16x192xi32>
      %eq3A_280 = arith.cmpi eq, %select_n3A_238, %eq3A_279 : vector<16x192xi32>
      %broadcast_in_dim3A_281 = vector.shape_cast %max3A_201 : vector<16x1xi32> to vector<16x1xi32>
      %broadcast_in_dim3A_282 = vector.broadcast %broadcast_in_dim3A_281 : vector<16x1xi32> to vector<16x192xi32>
      %select_n3A_283 = arith.select %eq3A_280, %broadcast_in_dim3A_282, %select_n3A_277 : vector<16x192xi1>, vector<16x192xi32>
      %eq3A_284 = arith.constant 3 : i32
      %eq3A_285 = vector.broadcast %eq3A_284 : i32 to vector<16x192xi32>
      %eq3A_286 = arith.cmpi eq, %select_n3A_238, %eq3A_285 : vector<16x192xi32>
      %broadcast_in_dim3A_287 = vector.shape_cast %max3A_197 : vector<16x1xi32> to vector<16x1xi32>
      %broadcast_in_dim3A_288 = vector.broadcast %broadcast_in_dim3A_287 : vector<16x1xi32> to vector<16x192xi32>
      %select_n3A_289 = arith.select %eq3A_286, %broadcast_in_dim3A_288, %select_n3A_283 : vector<16x192xi1>, vector<16x192xi32>
      %eq3A_290 = arith.constant 4 : i32
      %eq3A_291 = vector.broadcast %eq3A_290 : i32 to vector<16x192xi32>
      %eq3A_292 = arith.cmpi eq, %select_n3A_238, %eq3A_291 : vector<16x192xi32>
      %broadcast_in_dim3A_293 = vector.shape_cast %max3A_191 : vector<16x1xi32> to vector<16x1xi32>
      %broadcast_in_dim3A_294 = vector.broadcast %broadcast_in_dim3A_293 : vector<16x1xi32> to vector<16x192xi32>
      %select_n3A_295 = arith.select %eq3A_292, %broadcast_in_dim3A_294, %select_n3A_289 : vector<16x192xi1>, vector<16x192xi32>
      %mul3A_296 = arith.constant 32 : i32
      %mul3A_297 = vector.broadcast %mul3A_296 : i32 to vector<16x192xi32>
      %mul3A_298 = arith.muli %select_n3A_295, %mul3A_297 : vector<16x192xi32>
      %add3A_299 = arith.constant 4 : i32
      %add3A_300 = vector.broadcast %add3A_299 : i32 to vector<16x192xi32>
      %add3A_301 = arith.addi %mul3A_298, %add3A_300 : vector<16x192xi32>
      %add3A_302 = arith.addi %add3A_301, %select_n3A_263 : vector<16x192xi32>
      %lt3A_303 = arith.constant 4 : i32
      %lt3A_304 = vector.broadcast %lt3A_303 : i32 to vector<16x192xi32>
      %lt3A_305 = arith.cmpi slt, %iota3A_204, %lt3A_304 : vector<16x192xi32>
      %lt3A_306 = arith.constant 164 : i32
      %lt3A_307 = vector.broadcast %lt3A_306 : i32 to vector<16x192xi32>
      %lt3A_308 = arith.cmpi slt, %iota3A_204, %lt3A_307 : vector<16x192xi32>
      %add3A_309 = arith.constant 1856 : i32
      %add3A_310 = vector.broadcast %add3A_309 : i32 to vector<16x192xi32>
      %add3A_311 = arith.addi %iota3A_204, %add3A_310 : vector<16x192xi32>
      %select_n3A_312 = arith.select %lt3A_308, %add3A_302, %add3A_311 : vector<16x192xi1>, vector<16x192xi32>
      %select_n3A_313 = arith.select %lt3A_305, %iota3A_204, %select_n3A_312 : vector<16x192xi1>, vector<16x192xi32>
      %iota3A_314 = tpu.iota {dimensions = array<i32: 0>} : vector<16x192xi32>
      %mul3A_315 = arith.constant 2048 : i32
      %mul3A_316 = vector.broadcast %mul3A_315 : i32 to vector<16x192xi32>
      %mul3A_317 = arith.muli %iota3A_314, %mul3A_316 : vector<16x192xi32>
      %add3A_318 = arith.addi %select_n3A_313, %mul3A_317 : vector<16x192xi32>
      %swap3A_319 = arith.constant 0 : index
      %swap3A_320 = arith.constant 0 : index
      %swap3A_321 = vector.load %arg6[%swap3A_319, %swap3A_320] : memref<16x192xi32, #tpu.memory_space<vmem>>, vector<16x192xi32>
      tpu.vector_store %arg6[%swap3A_319, %swap3A_320], %add3A_318 {strides = array<i32>} : memref<16x192xi32, #tpu.memory_space<vmem>>, vector<16x192xi32>,
    } else {
    }
    return
  }
  func.func @transform_0(%arg0: i32) -> (i32, i32, i32, i32) {
    %c0_i32 = arith.constant 0 : i32
    %c0_i32_0 = arith.constant 0 : i32
    %c0_i32_1 = arith.constant 0 : i32
    %c0_i32_2 = arith.constant 0 : i32
    return %c0_i32, %arg0, %c0_i32_0, %c0_i32_1 : i32, i32, i32, i32
  }
  func.func @transform_1(%arg0: i32) -> (i32, i32, i32, i32) {
    %c0_i32 = arith.constant 0 : i32
    %c1_i32 = arith.constant 1 : i32
    %c0_i32_0 = arith.constant 0 : i32
    %c0_i32_1 = arith.constant 0 : i32
    return %c0_i32, %arg0, %c1_i32, %c0_i32_0 : i32, i32, i32, i32
  }
  func.func @transform_2(%arg0: i32) -> (i32, i32, i32, i32) {
    %c0_i32 = arith.constant 0 : i32
    %c2_i32 = arith.constant 2 : i32
    %c0_i32_0 = arith.constant 0 : i32
    %c0_i32_1 = arith.constant 0 : i32
    return %c0_i32, %arg0, %c2_i32, %c0_i32_0 : i32, i32, i32, i32
  }
  func.func @transform_3(%arg0: i32) -> (i32, i32, i32, i32) {
    %c0_i32 = arith.constant 0 : i32
    %c3_i32 = arith.constant 3 : i32
    %c0_i32_0 = arith.constant 0 : i32
    %c0_i32_1 = arith.constant 0 : i32
    return %c0_i32, %arg0, %c3_i32, %c0_i32_0 : i32, i32, i32, i32
  }
  func.func @transform_4(%arg0: i32) -> (i32, i32) {
    %c0_i32 = arith.constant 0 : i32
    %c0_i32_0 = arith.constant 0 : i32
    %c0_i32_1 = arith.constant 0 : i32
    return %c0_i32, %c0_i32_0 : i32, i32
  }
  func.func @transform_5(%arg0: i32) -> (i32, i32) {
    %c0_i32 = arith.constant 0 : i32
    %c0_i32_0 = arith.constant 0 : i32
    %c0_i32_1 = arith.constant 0 : i32
    return %c0_i32, %c0_i32_0 : i32, i32
  }
}

</mosaic_0001>

<sc_bundles>
// kernel: kernel.4.cloned.1.call-start
scs
__scs_entry_jumppad:
0x0: {  	(pc) =	sbr.rel $0x88, $3  }
0x1: {  	(tag) =	ssettag $0x0;
	lr =	simm.s32 $0x1  }
0x2: {  	[smem:$0x3F9E] =	sst lr;
	_ =	strace $0xD0000000  }
0x3: {  	_ = 	snop  }
0x4: {  	_ = 	snop  }
0x5: {  	_ = 	snop  }
0x6: {  	_ = 	snop  }
0x7: {  	_ = 	snop  }
__scs_overlays_trampoline_lowered:
0x8: {  	[smem:$0x3FAD] =	sst s0  }
0x9: {  	[smem:$0x3FAE] =	sst s1  }
0xa: {  	[smem:$0x3FAF] =	sst s2  }
0xb: {  	[smem:$0x3FB0] =	sst s3  }
0xc: {  	[smem:$0x3FB1] =	sst s4  }
0xd: {  	[smem:$0x3FB2] =	sst s5  }
0xe: {  	[smem:$0x3FB3] =	sst s6  }
0xf: {  	[smem:$0x3FB4] =	sst s7  }
0x10: {  	[smem:$0x3FB5] =	sst s8  }
0x11: {  	[smem:$0x3FB6] =	sst s9;
	s0 =	simm.s32 @!p0 $0x0  }
0x12: {  	s1 =	sld [smem:$0x3F9C];
	s0 =	simm.s32 @p0 $0x1  }
0x13: {  	[smem:$0x3FB7] =	sst s0;
	s0 =	simm.s32 @!p1 $0x0  }
0x14: {  	s2 =	sld [smem:$0x3F9B];
	s0 =	simm.s32 @p1 $0x1  }
0x15: {  	[smem:$0x3FB8] =	sst s0;
	s0 =	simm.s32 @!p2 $0x0  }
0x16: {  	s3 =	sld [smem:$0x3FDB];
	s0 =	simm.s32 @p2 $0x1  }
0x17: {  	s4 =	simm.s32 $0x1BF5;
	[smem:$0x3FBA] =	sst s0  }
0x18: {  	s0 =	sld [smem:$0x3F9D];
	_ =	swait.ge [sflag:s4], $0x0  }
0x19: {  	s7 =	sld [smem:$0x3F9E]  }
0x1a: {  	s8 =	sadd.s32 $0xFFFFE003, lr  }
0x1b: {  	s9 =	sadd.s32 $0xFFFFFEF7, lr;
	s5 =	simm.s32 $0xFFFFFFFF;
	p2 =	slt.u32 s8, $0xFFFFF086  }
0x1c: {  	p1 =	slt.u32 s9, $0xF7A;
	s5 =	simm.s32 @!p2 $0x0  }
0x1d: {  	s5 =	simm.s32 @p1 $0x1;
	p0 =	seq.s32 s7, s2  }
0x1e: {  	s7 =	smul.u32 @!p0 $0xF7A, s2;
	p2 =	seq.s32 @!p0 s5, $0x0  }
0x1f: {  	s9 =	smul.u32 $0xF7A, s1;
	s8 =	simm.s32 @!p0 $0x1BF5;
	p2 =	por !p2, p0  }
0x20: {  	[sflag:s8] =	ssyncset.s32 @!p0 $0xFFFFF086;
	s6 =	sadd.s32 @!p0 s3, s7;
	s7 =	simm.s32 @!p0 $0x108  }
0x21: {  	s3 =	sadd.s32 s3, s9;
	s6 =	sadd.s32 @!p0 $0x88, s6;
	s7 =	simm.s32 @p2 $0x1082  }
0x22: {  	[simem:s7], [sflag:s8] =	dma.local @!p0 [hbm:s6], $0xF7A  }
0x23: {  	s9 =	sor.u32 $0xD0000000, s2;
	s6 =	simm.s32 $0x108;
	_ =	swait.ge @!p0 [sflag:s8], $0x0  }
0x24: {  	s3 =	sadd.s32 $0x88, s3;
	s6 =	simm.s32 @!p1 $0x1082;
	[sflag:s4] =	ssyncset.s32 $0xFFFFF086  }
0x25: {  	[simem:s6], [sflag:s4] =	dma.local [hbm:s3], $0xF7A  }
0x26: {  	[smem:$0x3F9E] =	sst s1;
	(tag) =	ssettag s2;
	_ =	strace s9  }
0x27: {  	s1 =	sld [smem:$0x3FAE]  }
0x28: {  	s2 =	sld [smem:$0x3FAF]  }
0x29: {  	s4 =	sld [smem:$0x3FB1]  }
0x2a: {  	p0 =	seq.s32 s5, $0x0;
	s5 =	sld [smem:$0x3FB2]  }
0x2b: {  	s6 =	sld [smem:$0x3FB3]  }
0x2c: {  	s7 =	sld [smem:$0x3FB4]  }
0x2d: {  	s3 =	simm.s32 $0x108;
	s8 =	sld [smem:$0x3FB5]  }
0x2e: {  	s3 =	simm.s32 @!p0 $0x1082;
	s9 =	sld [smem:$0x3FB6]  }
0x2f: {  	lr =	sadd.s32 s0, s3;
	s0 =	sld [smem:$0x3FAD]  }
0x30: {  	s3 =	sld [smem:$0x3FB0]  }
0x31: {  	[smem:$0x3FB9] =	sst s10  }
0x32: {  	s10 =	sld [smem:$0x3FB7];
	_ =	sdelay $0x3  }
0x33: {  	p0 =	seq.s32 s10, $0x1;
	s10 =	sld [smem:$0x3FB9];
	_ =	sdelay $0x3  }
0x34: {  	[smem:$0x3FB9] =	sst s10  }
0x35: {  	s10 =	sld [smem:$0x3FB8];
	_ =	sdelay $0x3  }
0x36: {  	p1 =	seq.s32 s10, $0x1;
	s10 =	sld [smem:$0x3FB9];
	_ =	sdelay $0x3  }
0x37: {  	[smem:$0x3FB9] =	sst s10  }
0x38: {  	s10 =	sld [smem:$0x3FBA]  }
0x39: {  	_ = 	snop;
	(pc) =	sbr.ind lr, $3  }
0x3a: {  	_ = 	snop  }
0x3b: {  	_ = 	snop  }
0x3c: {  	p2 =	seq.s32 s10, $0x1;
	s10 =	sld [smem:$0x3FB9]  }
0x3d: {  	_ =	shalt  }
0x3e: {  	_ =	shalt  }
0x3f: {  	_ =	shalt  }
0x40: {  	_ =	shalt  }
0x41: {  	_ =	shalt  }
0x42: {  	_ =	shalt  }
0x43: {  	_ =	shalt  }
0x44: {  	_ =	shalt  }
0x45: {  	_ =	shalt  }
0x46: {  	_ =	shalt  }
0x47: {  	_ =	shalt  }
0x48: {  	_ =	shalt  }
0x49: {  	_ =	shalt  }
0x4a: {  	_ =	shalt  }
0x4b: {  	_ =	shalt  }
0x4c: {  	_ =	shalt  }
0x4d: {  	_ =	shalt  }
0x4e: {  	_ =	shalt  }
0x4f: {  	_ =	shalt  }
0x50: {  	_ =	shalt  }
0x51: {  	_ =	shalt  }
0x52: {  	_ =	shalt  }
0x53: {  	_ =	shalt  }
0x54: {  	_ =	shalt  }
0x55: {  	_ =	shalt  }
0x56: {  	_ =	shalt  }
0x57: {  	_ =	shalt  }
0x58: {  	_ =	shalt  }
0x59: {  	_ =	shalt  }
0x5a: {  	_ =	shalt  }
0x5b: {  	_ =	shalt  }
0x5c: {  	_ =	shalt  }
0x5d: {  	_ =	shalt  }
0x5e: {  	_ =	shalt  }
0x5f: {  	_ =	shalt  }
0x60: {  	_ =	shalt  }
0x61: {  	_ =	shalt  }
0x62: {  	_ =	shalt  }
0x63: {  	_ =	shalt  }
0x64: {  	_ =	shalt  }
0x65: {  	_ =	shalt  }
0x66: {  	_ =	shalt  }
0x67: {  	_ =	shalt  }
0x68: {  	_ =	shalt  }
0x69: {  	_ =	shalt  }
0x6a: {  	_ =	shalt  }
0x6b: {  	_ =	shalt  }
0x6c: {  	_ =	shalt  }
0x6d: {  	_ =	shalt  }
0x6e: {  	_ =	shalt  }
0x6f: {  	_ =	shalt  }
0x70: {  	_ =	shalt  }
0x71: {  	_ =	shalt  }
0x72: {  	_ =	shalt  }
0x73: {  	_ =	shalt  }
0x74: {  	_ =	shalt  }
0x75: {  	_ =	shalt  }
0x76: {  	_ =	shalt  }
0x77: {  	_ =	shalt  }
0x78: {  	_ =	shalt  }
0x79: {  	_ =	shalt  }
0x7a: {  	_ =	shalt  }
0x7b: {  	_ =	shalt  }
0x7c: {  	_ =	shalt  }
0x7d: {  	_ =	shalt  }
0x7e: {  	_ =	shalt  }
0x7f: {  	_ =	shalt  }
0x80: {  	_ =	shalt  }
0x81: {  	_ =	shalt  }
0x82: {  	_ =	shalt  }
0x83: {  	_ =	shalt  }
0x84: {  	_ =	shalt  }
0x85: {  	_ =	shalt  }
0x86: {  	_ =	shalt  }
0x87: {  	_ =	shalt  }
.Lfunc_end0:
.L_simem_size_0:
called_computation_lowered:
.L_overlay_start_0:
0x88: {  	s2 =	sld [smem:$0x3FD9]  }
0x89: {  	s3 =	sld [smem:$0x3FFE];
	_ =	sdelay $0x1  }
0x8a: {  	s1 =	srdreg.scid  }
0x8b: {  	s0 =	sand.u32 $0x1, s1  }
0x8c: {  	s14 =	sshll.u32 s0, $0xA;
	s2 =	sadd.s32 s3, s2  }
0x8d: {  	s2 =	sadd.s32 s2, s14  }
0x8e: {  	[smem:$0x3FC5] =	sst s2  }
0x8f: {  	_ = 	snop  }
0x90: {  	s2 =	sld [smem:$0x3FD0];
	_ =	sdelay $0x1  }
0x91: {  	s15 =	sld [smem:$0x3FC9]  }
0x92: {  	s5 =	simm.s32 $0xA;
	s6 =	simm.s32 $0x10;
	s4 =	sld [smem:$0x3FC8]  }
0x93: {  	[smem:s6], [sflag:s5] =	dma.local [hbm:s2], $0x1  }
0x94: {  	_ =	swait.eq [sflag:s5], $0x1  }
0x95: {  	[sflag:s5] =	ssyncset.done $0x0  }
0x96: {  	s16 =	sld [smem:$0x10];
	[sflag:s5] =	ssyncadd.s32 $0xFFFFFFFF  }
0x97: {  	s17 =	sld [smem:$0x11];
	(tm) =	ssettm $0x1  }
0x98: {  	s18 =	sld [smem:$0x3FFB];
	_ =	sdelay $0x3  }
0x99: {  	_ =	strace s18  }
0x9a: {  	s6 =	sld [smem:$0x3FFC];
	_ =	sdelay $0x3  }
0x9b: {  	_ =	strace s6  }
0x9c: {  	s6 =	sld [smem:$0x3FFD];
	_ =	sdelay $0x3  }
0x9d: {  	_ =	strace s6  }
0x9e: {  	_ =	strace $0x8FFFFFFF  }
0x9f: {  	s19 =	sld [smem:$0x3FDB];
	_ =	sdelay $0x1  }
0xa0: {  	s7 =	simm.s32 $_scs_section_size  }
0xa1: {  	s8 =	simm.s32 $_size__tile_overlayer_lowered;
	s9 =	simm.s32 $_tile_overlayer_lowered  }
0xa2: {  	s22 =	simm.s32 $0x1BFF;
	s21 =	sshll.u32 s9, $0x1;
	s6 =	sadd.s32 s7, s19  }
0xa3: {  	s10 =	simm.s32 $0x0;
	s20 =	sshll.u32 s8, $0x1;
	s8 =	sadd.s32 s21, s6  }
0xa4: {  	[timem:s10], [sflag:s22] =	dma.local [hbm:s8], s20  }
0xa5: {  	_ =	swait.ge [sflag:s22], s20  }
0xa6: {  	s7 =	ssub.s32 $0x0, s20;
	[sflag:s22] =	ssyncset.done $0x0  }
0xa7: {  	[sflag:s22] =	ssyncadd.s32 s7;
	_ =	sdelay $0x1  }
0xa8: {  	s23 =	simm.s32 $0x1B8B  }
0xa9: {  	_ =	swait.ge [sflag:s23], $0x1  }
0xaa: {  	[sflag:s23] =	ssyncset.done $0x0  }
0xab: {  	s25 =	simm.s32 $0x1B8E;
	s24 =	sld [smem:$0x3FFE];
	[sflag:s23] =	ssyncadd.s32 $0xFFFFFFFF  }
0xac: {  	s26 =	simm.s32 $execute0_lowered;
	[smem:$0x3FD2] =	sst s25  }
0xad: {  	s8 =	sshll.u32 s26, $0x1;
	_ =	strace $0x80000046;
	[dreg:$0x1] =	wrdreg $0xFFFFFFFF  }
0xae: {  	s28 =	simm.s32 $_size_execute0_lowered;
	s6 =	sadd.s32 s6, s8;
	[dreg:$0x0] =	wrdreg $0x0  }
0xaf: {  	s8 =	sshll.u32 s28, $0x1;
	[dreg:$0x2] =	wrdreg s6  }
0xb0: {  	[dreg:$0x3] =	wrdreg s8  }
0xb1: {  	[dreg:$0x4] =	wrdreg $0xC0  }
0xb2: {  	_ =	task [dreg:s10], $0x5FFFF  }
0xb3: {  	[dreg:$0x1] =	wrdreg $0xFFFFFFFF  }
0xb4: {  	[dreg:$0x0] =	wrdreg $0x60  }
0xb5: {  	[dreg:$0x2] =	wrdreg s15  }
0xb6: {  	[dreg:$0x3] =	wrdreg s4  }
0xb7: {  	[dreg:$0x4] =	wrdreg s24  }
0xb8: {  	[dreg:$0x5] =	wrdreg s16  }
0xb9: {  	[dreg:$0x6] =	wrdreg s17  }
0xba: {  	[dreg:$0x7] =	wrdreg $0x9  }
0xbb: {  	_ =	task.clear_ibuf [dreg:s10], $0x8FFFF;
	_ =	strace $0x90000046  }
0xbc: {  	s29 =	simm.s32 $0x9;
	_ =	strace $0x80000048  }
0xbd: {  	_ =	swait.ge [sflag:s29], $0x1  }
0xbe: {  	[sflag:s29] =	ssyncadd.s32 $0xFFFFFFFF  }
0xbf: {  	_ =	strace $0x90000048  }
0xc0: {  	_ =	sfence  }
0xc1: {  	s30 =	sld [smem:$0x0];
	_ =	sdelay $0x2  }
0xc2: {  	s31 =	sshll.u32 s1, $0xD;
	s1 =	sshrl.u32 s1, $0x2  }
0xc3: {  	s3 =	sand.u32 $0x4000, s31;
	s1 =	sadd.s32 s1, s30  }
0xc4: {  	s0 =	sor.u32 s3, s0;
	s1 =	sshll.u32 s1, $0x11  }
0xc5: {  	s0 =	sor.u32 s1, s0  }
0xc6: {  	s0 =	sadd.s32 $0x8F2B, s0  }
0xc7: {  	[sflag:s0] =	ssyncadd.remote.s32 $0x1  }
0xc8: {  	_ =	sfence.sel $0xFFFF  }
0xc9: {  	[dreg:$0x0] =	wrdreg $0xFFFFFFFF;
	(pc) =	sbr.abs _section_cstart, $3  }
0xca: {  	[dreg:$0x1] =	wrdreg $0xFFFFFFFF  }
0xcb: {  	_ =	task.clear_ibuf [dreg:s10], $0x2FFFF;
	_ =	strace $0x9FFFFFFF  }
0xcc: {  	(tm) =	ssettm $0x7FFFFFFF  }
0xcd: {  	_ =	shalt  }
tec
execute0_lowered:
.L_overlay_start_1:
0x0: {  	(tag) =	ssettag $0x1  }
0x1: {  	s1 =	rddreg [dreg:$0x0]  }
0x2: {  	s2 =	rddreg [dreg:$0x1]  }
0x3: {  	s3 =	srdreg.scid;
	s0 =	stileid.u32  }
0x4: {  	s5 =	rddreg [dreg:$0x2];
	s12 =	sand.u32 $0x1, s3;
	s29 =	sshll.u32 s0, $0x1  }
0x5: {  	s13 =	rddreg [dreg:$0x3];
	s14 =	sor.u32 s12, s29  }
0x6: {  	s15 =	rddreg [dreg:$0x4];
	s6 =	smul.u32 $0xC, s14  }
0x7: {  	s4 =	simm.s32 $0x0;
	s3 =	rddreg [dreg:$0x5]  }
0x8: {  	[smem:$0x7FF] =	sst s4;
	s5 =	sadd.s32 s6, s5  }
0x9: {  	_ =	strace $0x80000047;
	s6 =	sadd.s32 $0xA00, s5;
	s5 =	simm.s32 $0x3  }
0xa: {  	[tilespmem:s4], [sflag:$0x3] =	stream.linear.gather [hbm4b:s6+s4], $0x60, $0x38;
	[tilespmem:$0x6080] =	vst v63  }
0xb: {  	_ =	swait.ge [sflag:s5], $0x60  }
0xc: {  	[sflag:s5] =	ssyncset.done $0x0  }
0xd: {  	s7 =	simm.s32 $0x60;
	s8 =	simm.s32 $0x80;
	[sflag:s5] =	ssyncadd.s32 $0xFFFFFFA0  }
0xe: {  	[tilespmem:s8], [sflag:$0x1] =	stream.indirect.gather [hbm4b:s1+s7], $0x80, s4, s7, $0xb8;
	[tilespmem:$0x6080] =	vst v63  }
0xf: {  	s9 =	simm.s32 $0x3080;
	s10 =	simm.s32 $0x1  }
0x10: {  	[tilespmem:s9], [sflag:$0x2] =	stream.indirect.gather [hbm4b:s2+s7], $0x80, s4, s7, $0xb8;
	[tilespmem:$0x6080] =	vst v63  }
0x11: {  	_ =	swait.ge [sflag:s10], $0x3000  }
0x12: {  	[sflag:s10] =	ssyncset.done $0x0  }
0x13: {  	s11 =	simm.s32 $0x2;
	s16 =	ssub.s32 $0x2, s12;
	[sflag:s10] =	ssyncadd.s32 $0xFFFFD000  }
0x14: {  	s14 =	smul.u32 $0x600, s14;
	s30 =	sshrl.u32 s16, $0x1;
	_ =	swait.ge [sflag:s11], $0x3000  }
0x15: {  	s16 =	ssub.s32 s16, s30;
	[sflag:s11] =	ssyncset.done $0x0  }
0x16: {  	s12 =	sadd.s32 s13, s14;
	s31 =	smax.u32 s16, $0x1;
	[sflag:s11] =	ssyncadd.s32 $0xFFFFD000  }
0x17: {  	[hbm4b:s12+s4] =	stream.linear.scatter [tilespmem:s8], [sflag:$0x3], $0x3000, $0x38;
	[tilespmem:$0x6080] =	vst v63  }
0x18: {  	p0 =	sne.s32 s31, $0x1;
	_ =	swait.ge [sflag:s5], $0x3000  }
.Ltmp0:
0x19: {  	[sflag:s5] =	ssyncset.done $0x0;
	(pc) =	sbr.rel @!p0 .LBB2_2-.Ltmp0, $4  }
0x1a: {  	s13 =	sadd.s32 s15, s14;
	[sflag:s5] =	ssyncadd.s32 $0xFFFFD000  }
0x1b: {  	[hbm4b:s13+s4] =	stream.linear.scatter [tilespmem:s9], [sflag:$0x3], $0x3000, $0x38;
	[tilespmem:$0x6080] =	vst v63  }
0x1c: {  	_ =	swait.ge [sflag:s5], $0x3000  }
0x1d: {  	s14 =	sadd.s32 $0xFFFFFFFF, s31;
	[sflag:s5] =	ssyncset.done $0x0  }
.LBB2_1:
0x1e: {  	p0 =	sne.s32 s14, $0x1;
	s14 =	sadd.s32 $0xFFFFFFFF, s14;
	[sflag:s5] =	ssyncadd.s32 $0xFFFFD000  }
0x1f: {  	[tilespmem:s4], [sflag:$0x3] =	stream.linear.gather [hbm4b:s6+s4], $0x60, $0x38;
	[tilespmem:$0x6080] =	vst v63  }
0x20: {  	_ =	swait.ge [sflag:s5], $0x60  }
0x21: {  	[sflag:s5] =	ssyncset.done $0x0  }
0x22: {  	[sflag:s5] =	ssyncadd.s32 $0xFFFFFFA0  }
0x23: {  	[tilespmem:s8], [sflag:$0x1] =	stream.indirect.gather [hbm4b:s1+s7], $0x80, s4, s7, $0xb8;
	[tilespmem:$0x6080] =	vst v63  }
0x24: {  	_ = 	snop  }
0x25: {  	[tilespmem:s9], [sflag:$0x2] =	stream.indirect.gather [hbm4b:s2+s7], $0x80, s4, s7, $0xb8;
	[tilespmem:$0x6080] =	vst v63  }
0x26: {  	_ =	swait.ge [sflag:s10], $0x3000  }
0x27: {  	[sflag:s10] =	ssyncset.done $0x0  }
0x28: {  	[sflag:s10] =	ssyncadd.s32 $0xFFFFD000  }
0x29: {  	_ =	swait.ge [sflag:s11], $0x3000  }
0x2a: {  	[sflag:s11] =	ssyncset.done $0x0  }
0x2b: {  	[sflag:s11] =	ssyncadd.s32 $0xFFFFD000  }
0x2c: {  	[hbm4b:s12+s4] =	stream.linear.scatter [tilespmem:s8], [sflag:$0x3], $0x3000, $0x38;
	[tilespmem:$0x6080] =	vst v63  }
0x2d: {  	_ =	swait.ge [sflag:s5], $0x3000  }
.Ltmp1:
0x2e: {  	[sflag:s5] =	ssyncset.done $0x0;
	(pc) =	sbr.rel @p0 .LBB2_1-.Ltmp1, $4  }
0x2f: {  	[sflag:s5] =	ssyncadd.s32 $0xFFFFD000  }
0x30: {  	[hbm4b:s13+s4] =	stream.linear.scatter [tilespmem:s9], [sflag:$0x3], $0x3000, $0x38;
	[tilespmem:$0x6080] =	vst v63  }
0x31: {  	_ =	swait.ge [sflag:s5], $0x3000  }
0x32: {  	[sflag:s5] =	ssyncset.done $0x0  }
.LBB2_2:
0x33: {  	[sflag:s5] =	ssyncadd.s32 $0xFFFFD000  }
0x34: {  	_ =	sfence.sel $0x180000  }
0x35: {  	[bflag:$0x0] =	sbarrier.arrive $0xFFFF  }
0x36: {  	p0 =	sne.s32 s0, $0x0;
	_ =	strace $0x90000047  }
0x37: {  	s0 =	sadd.s32 @!p0 $0x100000, s3;
	[bflag:$0x2] =	sbarrier.arrive $0xFFFF  }
0x38: {  	[sflag:s0] =	ssyncadd.tile.s32 @!p0 $0x1;
	_ =	shalt  }
.Lfunc_end2:
_tile_overlayer_lowered:
.L_overlay_start_2:
0x39: {  	(tag) =	ssettag $0x2  }
0x3a: {  	s0 =	rddreg [dreg:$0x0];
	s2 =	stileid.u32  }
0x3b: {  	s1 =	rddreg [dreg:$0x1];
	p0 =	sne.s32 s2, $0x0  }
0x3c: {  	s3 =	rddreg [dreg:$0x2];
	[bflag:$0x3] =	sbarrier.arrive $0xFFFF;
	s2 =	simm.s32 @!p0 $0x1C03  }
0x3d: {  	[timem:s3], [sflag:s2] =	dma.local @!p0 [hbm:s0], s1  }
0x3e: {  	s0 =	simm.s32 @!p0 $0x3  }
0x3f: {  	_ =	swait.ge @!p0 [sflag:s0], s1  }
0x40: {  	s1 =	ssub.s32 @!p0 $0x0, s1;
	[sflag:s0] =	ssyncset.done @!p0 $0x0  }
0x41: {  	[sflag:s0] =	ssyncadd.s32 @!p0 s1  }
0x42: {  	[bflag:$0x3] =	sbarrier.arrive $0xFFFF  }
0x43: {  	_ =	shalt  }

</sc_bundles>
